<compile_context>
chip_gen: v7x
topology: tpu7x:2x2x1
jax: 0.10.2.dev20260603
libtpu: 0.0.44.dev20260713+nightly
codegen_flags: <defaults>
</compile_context>

<pallas_src>
import jax
import jax.numpy as jnp
from jax.experimental import pallas as pl
from jax.experimental.pallas import tpu as pltpu
from jax.experimental.pallas import tpu_sc as plsc

_HIDDEN = 768
_NUM_MOD = 64
_N_TOK = 2048
_TILE = 128
_NBUF = 4


def _sc_seg_offsets(mm):
    mesh = plsc.ScalarSubcoreMesh(axis_name="core")
    n_cores = mesh.num_cores
    per_core = -(-_NUM_MOD // n_cores)

    @pl.kernel(
        out_type=jax.ShapeDtypeStruct((_NUM_MOD, 2), jnp.int32),
        mesh=mesh,
        scratch_types=[
            pltpu.SMEM((_N_TOK,), jnp.int32),
            pltpu.SMEM((_NUM_MOD, 2), jnp.int32),
            pltpu.SemaphoreType.DMA,
        ],
    )
    def sc_meta(mm_hbm, se_hbm, mm_s, se_s, sem):
        c = jax.lax.axis_index("core")
        e_lo = c * per_core
        e_hi = jnp.minimum(e_lo + per_core, _NUM_MOD)

        pltpu.async_copy(mm_hbm, mm_s, sem).wait()

        def count_le(v):
            def step_fn(_, carry):
                cnt, step = carry
                idx = jnp.minimum(cnt + step - 1, _N_TOK - 1)
                ok = jnp.logical_and(cnt + step <= _N_TOK, mm_s[idx] <= v)
                return cnt + jnp.where(ok, step, 0), step // 2

            cnt, _ = jax.lax.fori_loop(0, 12, step_fn, (0, _N_TOK))
            return cnt

        se_s[e_lo, 0] = count_le(e_lo - 1)

        @pl.loop(e_lo, e_hi)
        def _(e):
            end_e = count_le(e)
            se_s[e, 1] = end_e

            @pl.when(e + 1 < e_hi)
            def _():
                se_s[e + 1, 0] = end_e

        pltpu.async_copy(
            se_s.at[pl.ds(e_lo, per_core), :],
            se_hbm.at[pl.ds(e_lo, per_core), :],
            sem,
        ).wait()

    return sc_meta(mm)


def _gmm_kernel(se_ref, x_ref, w_hbm, nw_ref, out_ref, wbuf, sems):
    def start_copy(e, slot):
        pltpu.make_async_copy(w_hbm.at[e], wbuf.at[slot], sems.at[slot]).start()

    for k in range(_NBUF - 1):
        start_copy(k, k)

    def process_expert(e):
        nxt = e + _NBUF - 1

        @pl.when(nxt < _NUM_MOD)
        def _():
            start_copy(nxt, jax.lax.rem(nxt, _NBUF))

        slot = jax.lax.rem(e, _NBUF)
        pltpu.make_async_copy(
            w_hbm.at[e], wbuf.at[slot], sems.at[slot]
        ).wait()

        seg_lo = se_ref[e, 0]
        seg_hi = se_ref[e, 1]
        scale = nw_ref[e] + 1.0

        def tile_step(t, _):
            r0 = t * _TILE
            xs = x_ref[pl.ds(r0, _TILE), :]
            normed = (xs * scale).astype(jnp.bfloat16)
            y = jax.lax.dot_general(
                normed,
                wbuf[slot],
                dimension_numbers=(((1,), (1,)), ((), ())),
                preferred_element_type=jnp.float32,
            )
            rows = r0 + jax.lax.broadcasted_iota(jnp.int32, (_TILE, 1), 0)
            mask = jnp.logical_and(rows >= seg_lo, rows < seg_hi)
            out_ref[pl.ds(r0, _TILE), :] = jnp.where(
                mask, y, out_ref[pl.ds(r0, _TILE), :]
            )
            return 0

        jax.lax.fori_loop(
            seg_lo // _TILE, (seg_hi + _TILE - 1) // _TILE, tile_step, 0
        )

    def expert_pair_step(i, _):
        process_expert(2 * i)
        process_expert(2 * i + 1)
        return 0

    jax.lax.fori_loop(0, _NUM_MOD // 2, expert_pair_step, 0)


def kernel(x, modality_mapping, W, norm_w):
    mm = modality_mapping.astype(jnp.int32)
    se = _sc_seg_offsets(mm)

    grid_spec = pltpu.PrefetchScalarGridSpec(
        num_scalar_prefetch=1,
        grid=(1,),
        in_specs=[
            pl.BlockSpec((_N_TOK, _HIDDEN), lambda g, s: (0, 0)),
            pl.BlockSpec(memory_space=pl.ANY),
            pl.BlockSpec((_NUM_MOD, _HIDDEN), lambda g, s: (0, 0)),
        ],
        out_specs=pl.BlockSpec((_N_TOK, _HIDDEN), lambda g, s: (0, 0)),
        scratch_shapes=[
            pltpu.VMEM((_NBUF, _HIDDEN, _HIDDEN), jnp.bfloat16),
            pltpu.SemaphoreType.DMA((_NBUF,)),
        ],
    )
    return pl.pallas_call(
        _gmm_kernel,
        grid_spec=grid_spec,
        out_shape=jax.ShapeDtypeStruct((_N_TOK, _HIDDEN), jnp.float32),
        compiler_params=pltpu.CompilerParams(
            dimension_semantics=("arbitrary",)
        ),
    )(se, x, W, norm_w)

# --- scband reference (transcript-rebuilt; emitter-appended) ---
"""Pipeline reference for scband-transformer-block-mock-26491358281735 (READ-ONLY COPY).

The authoritative reference and input builder live on the scoring server;
editing this copy changes nothing except your own understanding.
"""

import jax, jax.numpy as jnp
import numpy as np

HIDDEN = 768
NUM_MODALITIES = 64
N_TOKENS = 2048


def setup_inputs(seed: int = 0) -> dict:
    key = jax.random.key(seed)
    k1, k2, k3 = jax.random.split(key, 3)
    x = jax.random.normal(k1, (N_TOKENS, HIDDEN), dtype=jnp.float32)
    modality_mapping = jnp.sort(
        jax.random.randint(k2, (N_TOKENS,), 0, NUM_MODALITIES, dtype=jnp.int64)
    )
    # Expert linear weights (nn.Linear(hidden, hidden, bias=False, dtype=bf16)),
    # weight layout [out_features, in_features] per expert.
    W = (
        jax.random.normal(k3, (NUM_MODALITIES, HIDDEN, HIDDEN), dtype=jnp.float32)
        * (1.0 / np.sqrt(HIDDEN))
    ).astype(jnp.bfloat16)
    # norm_weights initialized to ones (torch.ones(hidden_size)), float32
    norm_w = jnp.ones((NUM_MODALITIES, HIDDEN), dtype=jnp.float32)
    return {"x": x, "modality_mapping": modality_mapping, "W": W, "norm_w": norm_w}


def reference(x, modality_mapping, W, norm_w):
    # ModalityDispatcherMock: x is assumed already ordered by the (sorted)
    # modality mapping, so the contiguous per-modality dispatch + concatenate
    # is equivalent to routing each row to its expert in place.
    out = jnp.zeros((x.shape[0], x.shape[1]), dtype=jnp.float32)
    for i in range(NUM_MODALITIES):
        # normed = chunk.float() * (norm_weights[i] + 1)
        normed = x.astype(jnp.float32) * (norm_w[i] + 1.0)
        # experts[i](normed.to(bf16)).float()  -> bf16 matmul with W[i].T
        y = jnp.dot(normed.astype(jnp.bfloat16), W[i].T).astype(jnp.float32)
        out = jnp.where((modality_mapping == i)[:, None], y, out)
    return out

if __name__ == "__main__":
    import jax
    _d = setup_inputs()
    print(jax.jit(kernel)(*tuple(_d.values())))

</pallas_src>

<mosaic_0001>
#map = affine_map<(d0) -> (0)>
#map1 = affine_map<(d0) -> (0, 0)>
module attributes {stable_mosaic.version = 14 : i64} {
  func.func @sc_meta(%arg0: i32, %arg1: memref<2048xi32, #tpu.memory_space<hbm>>, %arg2: memref<64x2xi32, #tpu.memory_space<hbm>>, %arg3: memref<2048xi32, #tpu.memory_space<smem>>, %arg4: memref<64x2xi32, #tpu.memory_space<smem>>, %arg5: memref<!tpu.dma_semaphore, #tpu.memory_space<semaphore_mem>>) attributes {dimension_semantics = [#tpu.dimension_semantics<core_parallel>], iteration_bounds = array<i64: 2>, scalar_prefetch = 0 : i64, scratch_operands = 3 : i64, tpu.core_type = #tpu.core_type<sc_scalar_subcore>, window_params = [{transform_indices = #map}, {transform_indices = #map1}]} {
    %mul3A = arith.constant 32 : i32
    %mul3A_0 = arith.muli %arg0, %mul3A : i32
    %add3A = arith.constant 32 : i32
    %add3A_1 = arith.addi %mul3A_0, %add3A : i32
    %min3A = arith.constant 64 : i32
    %min3A_2 = arith.minsi %add3A_1, %min3A : i32
    tpu.enqueue_dma source(%arg1 : memref<2048xi32, #tpu.memory_space<hbm>>) target(%arg3 : memref<2048xi32, #tpu.memory_space<smem>>) target_semaphore(%arg5 : memref<!tpu.dma_semaphore, #tpu.memory_space<semaphore_mem>>)
    tpu.wait_dma2 semaphore(%arg5 : memref<!tpu.dma_semaphore, #tpu.memory_space<semaphore_mem>>) src(%arg1 : memref<2048xi32, #tpu.memory_space<hbm>>) dst(%arg3 : memref<2048xi32, #tpu.memory_space<smem>>)
    %sub3A = arith.constant 1 : i32
    %sub3A_3 = arith.subi %mul3A_0, %sub3A : i32
    %scan3A = arith.constant 0 : i32
    %scan3A_4 = arith.constant 2048 : i32
    %scan3A_5 = arith.constant 0 : i32
    %scan3A_6 = arith.constant 12 : i32
    %scan3A_7 = arith.addi %scan3A_5, %scan3A_6 : i32
    %scan3A_8 = arith.constant 1 : i32
    %scan3A_9:2 = scf.for %scan3A_35 = %scan3A_5 to %scan3A_7 step %scan3A_8 iter_args(%scan3A_36 = %scan3A, %scan3A_37 = %scan3A_4) -> (i32, i32)  : i32 {
      %add3A_38 = arith.addi %scan3A_36, %scan3A_37 : i32
      %sub3A_39 = arith.constant 1 : i32
      %sub3A_40 = arith.subi %add3A_38, %sub3A_39 : i32
      %min3A_41 = arith.constant 2047 : i32
      %min3A_42 = arith.minsi %sub3A_40, %min3A_41 : i32
      %add3A_43 = arith.addi %scan3A_36, %scan3A_37 : i32
      %le3A = arith.constant 2048 : i32
      %le3A_44 = arith.cmpi sle, %add3A_43, %le3A : i32
      %get3A = arith.index_cast %min3A_42 : i32 to index
      %get3A_45 = memref.load %arg3[%get3A] : memref<2048xi32, #tpu.memory_space<smem>>
      %le3A_46 = arith.cmpi sle, %get3A_45, %sub3A_3 : i32
      %and3A = arith.andi %le3A_44, %le3A_46 : i1
      %jit3A = arith.constant 0 : i32
      %select_n3A = arith.select %and3A, %scan3A_37, %jit3A : i32
      %add3A_47 = arith.addi %scan3A_36, %select_n3A : i32
      %jit3A_48 = arith.constant 2 : i32
      %div3A_49 = arith.divsi %scan3A_37, %jit3A_48 : i32
      %sign3A = arith.constant 0 : i32
      %sign3A_50 = arith.cmpi sgt, %scan3A_37, %sign3A : i32
      %sign3A_51 = arith.extui %sign3A_50 : i1 to i32
      %sign3A_52 = arith.constant 0 : i32
      %sign3A_53 = arith.cmpi slt, %scan3A_37, %sign3A_52 : i32
      %sign3A_54 = arith.extui %sign3A_53 : i1 to i32
      %sign3A_55 = arith.subi %sign3A_51, %sign3A_54 : i32
      %sign3A_56 = arith.constant 0 : i32
      %sign3A_57 = arith.cmpi sgt, %jit3A_48, %sign3A_56 : i32
      %sign3A_58 = arith.extui %sign3A_57 : i1 to i32
      %sign3A_59 = arith.constant 0 : i32
      %sign3A_60 = arith.cmpi slt, %jit3A_48, %sign3A_59 : i32
      %sign3A_61 = arith.extui %sign3A_60 : i1 to i32
      %sign3A_62 = arith.subi %sign3A_58, %sign3A_61 : i32
      %ne3A = arith.cmpi ne, %sign3A_55, %sign3A_62 : i32
      %rem3A = arith.remsi %scan3A_37, %jit3A_48 : i32
      %ne3A_63 = arith.constant 0 : i32
      %ne3A_64 = arith.cmpi ne, %rem3A, %ne3A_63 : i32
      %and3A_65 = arith.andi %ne3A, %ne3A_64 : i1
      %sub3A_66 = arith.constant 1 : i32
      %sub3A_67 = arith.subi %div3A_49, %sub3A_66 : i32
      %select_n3A_68 = arith.select %and3A_65, %sub3A_67, %div3A_49 : i32
      scf.yield %add3A_47, %select_n3A_68 : i32, i32
    }
    %scan3A_10 = arith.constant 12 : i32
    %swap3A = arith.constant 0 : i32
    %swap3A_11 = arith.index_cast %mul3A_0 : i32 to index
    %swap3A_12 = arith.index_cast %swap3A : i32 to index
    %swap3A_13 = memref.load %arg4[%swap3A_11, %swap3A_12] : memref<64x2xi32, #tpu.memory_space<smem>>
    memref.store %scan3A_9#0, %arg4[%swap3A_11, %swap3A_12] : memref<64x2xi32, #tpu.memory_space<smem>>
    %sub3A_14 = arith.subi %min3A_2, %mul3A_0 : i32
    %sub3A_15 = arith.constant 1 : i32
    %sub3A_16 = arith.constant 1 : i32
    %sub3A_17 = arith.subi %sub3A_15, %sub3A_16 : i32
    %add3A_18 = arith.addi %sub3A_14, %sub3A_17 : i32
    %div3A = arith.constant 1 : i32
    %div3A_19 = arith.divsi %add3A_18, %div3A : i32
    %while3A = arith.constant 1 : i32
    %while3A_20 = arith.constant 0 : i32
    %while3A_21 = arith.subi %div3A_19, %while3A_20 : i32
    %while3A_22 = arith.addi %while3A_20, %while3A_21 : i32
    %while3A_23 = arith.constant 1 : i32
    %while3A_24 = arith.divsi %while3A_21, %while3A_23 : i32
    %while3A_25 = arith.muli %while3A_24, %while3A_23 : i32
    %while3A_26 = arith.addi %while3A_20, %while3A_25 : i32
    %while3A_27 = arith.constant 1 : i32
    scf.for %while3A_35 = %while3A_20 to %while3A_26 step %while3A_27  : i32 {
      %mul3A_36 = arith.muli %while3A_35, %while3A : i32
      %add3A_37 = arith.addi %mul3A_0, %mul3A_36 : i32
      %scan3A_38 = arith.constant 0 : i32
      %scan3A_39 = arith.constant 2048 : i32
      %scan3A_40 = arith.constant 0 : i32
      %scan3A_41 = arith.constant 12 : i32
      %scan3A_42 = arith.addi %scan3A_40, %scan3A_41 : i32
      %scan3A_43 = arith.constant 1 : i32
      %scan3A_44:2 = scf.for %scan3A_53 = %scan3A_40 to %scan3A_42 step %scan3A_43 iter_args(%scan3A_54 = %scan3A_38, %scan3A_55 = %scan3A_39) -> (i32, i32)  : i32 {
        %add3A_56 = arith.addi %scan3A_54, %scan3A_55 : i32
        %sub3A_57 = arith.constant 1 : i32
        %sub3A_58 = arith.subi %add3A_56, %sub3A_57 : i32
        %min3A_59 = arith.constant 2047 : i32
        %min3A_60 = arith.minsi %sub3A_58, %min3A_59 : i32
        %add3A_61 = arith.addi %scan3A_54, %scan3A_55 : i32
        %le3A = arith.constant 2048 : i32
        %le3A_62 = arith.cmpi sle, %add3A_61, %le3A : i32
        %get3A = arith.index_cast %min3A_60 : i32 to index
        %get3A_63 = memref.load %arg3[%get3A] : memref<2048xi32, #tpu.memory_space<smem>>
        %le3A_64 = arith.cmpi sle, %get3A_63, %add3A_37 : i32
        %and3A = arith.andi %le3A_62, %le3A_64 : i1
        %jit3A = arith.constant 0 : i32
        %select_n3A = arith.select %and3A, %scan3A_55, %jit3A : i32
        %add3A_65 = arith.addi %scan3A_54, %select_n3A : i32
        %jit3A_66 = arith.constant 2 : i32
        %div3A_67 = arith.divsi %scan3A_55, %jit3A_66 : i32
        %sign3A = arith.constant 0 : i32
        %sign3A_68 = arith.cmpi sgt, %scan3A_55, %sign3A : i32
        %sign3A_69 = arith.extui %sign3A_68 : i1 to i32
        %sign3A_70 = arith.constant 0 : i32
        %sign3A_71 = arith.cmpi slt, %scan3A_55, %sign3A_70 : i32
        %sign3A_72 = arith.extui %sign3A_71 : i1 to i32
        %sign3A_73 = arith.subi %sign3A_69, %sign3A_72 : i32
        %sign3A_74 = arith.constant 0 : i32
        %sign3A_75 = arith.cmpi sgt, %jit3A_66, %sign3A_74 : i32
        %sign3A_76 = arith.extui %sign3A_75 : i1 to i32
        %sign3A_77 = arith.constant 0 : i32
        %sign3A_78 = arith.cmpi slt, %jit3A_66, %sign3A_77 : i32
        %sign3A_79 = arith.extui %sign3A_78 : i1 to i32
        %sign3A_80 = arith.subi %sign3A_76, %sign3A_79 : i32
        %ne3A = arith.cmpi ne, %sign3A_73, %sign3A_80 : i32
        %rem3A = arith.remsi %scan3A_55, %jit3A_66 : i32
        %ne3A_81 = arith.constant 0 : i32
        %ne3A_82 = arith.cmpi ne, %rem3A, %ne3A_81 : i32
        %and3A_83 = arith.andi %ne3A, %ne3A_82 : i1
        %sub3A_84 = arith.constant 1 : i32
        %sub3A_85 = arith.subi %div3A_67, %sub3A_84 : i32
        %select_n3A_86 = arith.select %and3A_83, %sub3A_85, %div3A_67 : i32
        scf.yield %add3A_65, %select_n3A_86 : i32, i32
      }
      %scan3A_45 = arith.constant 12 : i32
      %swap3A_46 = arith.constant 1 : i32
      %swap3A_47 = arith.index_cast %add3A_37 : i32 to index
      %swap3A_48 = arith.index_cast %swap3A_46 : i32 to index
      %swap3A_49 = memref.load %arg4[%swap3A_47, %swap3A_48] : memref<64x2xi32, #tpu.memory_space<smem>>
      memref.store %scan3A_44#0, %arg4[%swap3A_47, %swap3A_48] : memref<64x2xi32, #tpu.memory_space<smem>>
      %add3A_50 = arith.constant 1 : i32
      %add3A_51 = arith.addi %add3A_37, %add3A_50 : i32
      %lt3A = arith.cmpi slt, %add3A_51, %min3A_2 : i32
      %convert_element_type3A = arith.extui %lt3A : i1 to i32
      %cond3A = arith.constant 0 : i32
      %cond3A_52 = arith.cmpi ne, %convert_element_type3A, %cond3A : i32
      scf.if %cond3A_52 {
        %add3A_53 = arith.constant 1 : i32
        %add3A_54 = arith.addi %add3A_37, %add3A_53 : i32
        %swap3A_55 = arith.constant 0 : i32
        %swap3A_56 = arith.index_cast %add3A_54 : i32 to index
        %swap3A_57 = arith.index_cast %swap3A_55 : i32 to index
        %swap3A_58 = memref.load %arg4[%swap3A_56, %swap3A_57] : memref<64x2xi32, #tpu.memory_space<smem>>
        memref.store %scan3A_44#0, %arg4[%swap3A_56, %swap3A_57] : memref<64x2xi32, #tpu.memory_space<smem>>
      } else {
      }
    }
    %while3A_28 = arith.constant 1 : i32
    scf.for %while3A_35 = %while3A_26 to %while3A_22 step %while3A_28  : i32 {
      %mul3A_36 = arith.muli %while3A_35, %while3A : i32
      %add3A_37 = arith.addi %mul3A_0, %mul3A_36 : i32
      %scan3A_38 = arith.constant 0 : i32
      %scan3A_39 = arith.constant 2048 : i32
      %scan3A_40 = arith.constant 0 : i32
      %scan3A_41 = arith.constant 12 : i32
      %scan3A_42 = arith.addi %scan3A_40, %scan3A_41 : i32
      %scan3A_43 = arith.constant 1 : i32
      %scan3A_44:2 = scf.for %scan3A_53 = %scan3A_40 to %scan3A_42 step %scan3A_43 iter_args(%scan3A_54 = %scan3A_38, %scan3A_55 = %scan3A_39) -> (i32, i32)  : i32 {
        %add3A_56 = arith.addi %scan3A_54, %scan3A_55 : i32
        %sub3A_57 = arith.constant 1 : i32
        %sub3A_58 = arith.subi %add3A_56, %sub3A_57 : i32
        %min3A_59 = arith.constant 2047 : i32
        %min3A_60 = arith.minsi %sub3A_58, %min3A_59 : i32
        %add3A_61 = arith.addi %scan3A_54, %scan3A_55 : i32
        %le3A = arith.constant 2048 : i32
        %le3A_62 = arith.cmpi sle, %add3A_61, %le3A : i32
        %get3A = arith.index_cast %min3A_60 : i32 to index
        %get3A_63 = memref.load %arg3[%get3A] : memref<2048xi32, #tpu.memory_space<smem>>
        %le3A_64 = arith.cmpi sle, %get3A_63, %add3A_37 : i32
        %and3A = arith.andi %le3A_62, %le3A_64 : i1
        %jit3A = arith.constant 0 : i32
        %select_n3A = arith.select %and3A, %scan3A_55, %jit3A : i32
        %add3A_65 = arith.addi %scan3A_54, %select_n3A : i32
        %jit3A_66 = arith.constant 2 : i32
        %div3A_67 = arith.divsi %scan3A_55, %jit3A_66 : i32
        %sign3A = arith.constant 0 : i32
        %sign3A_68 = arith.cmpi sgt, %scan3A_55, %sign3A : i32
        %sign3A_69 = arith.extui %sign3A_68 : i1 to i32
        %sign3A_70 = arith.constant 0 : i32
        %sign3A_71 = arith.cmpi slt, %scan3A_55, %sign3A_70 : i32
        %sign3A_72 = arith.extui %sign3A_71 : i1 to i32
        %sign3A_73 = arith.subi %sign3A_69, %sign3A_72 : i32
        %sign3A_74 = arith.constant 0 : i32
        %sign3A_75 = arith.cmpi sgt, %jit3A_66, %sign3A_74 : i32
        %sign3A_76 = arith.extui %sign3A_75 : i1 to i32
        %sign3A_77 = arith.constant 0 : i32
        %sign3A_78 = arith.cmpi slt, %jit3A_66, %sign3A_77 : i32
        %sign3A_79 = arith.extui %sign3A_78 : i1 to i32
        %sign3A_80 = arith.subi %sign3A_76, %sign3A_79 : i32
        %ne3A = arith.cmpi ne, %sign3A_73, %sign3A_80 : i32
        %rem3A = arith.remsi %scan3A_55, %jit3A_66 : i32
        %ne3A_81 = arith.constant 0 : i32
        %ne3A_82 = arith.cmpi ne, %rem3A, %ne3A_81 : i32
        %and3A_83 = arith.andi %ne3A, %ne3A_82 : i1
        %sub3A_84 = arith.constant 1 : i32
        %sub3A_85 = arith.subi %div3A_67, %sub3A_84 : i32
        %select_n3A_86 = arith.select %and3A_83, %sub3A_85, %div3A_67 : i32
        scf.yield %add3A_65, %select_n3A_86 : i32, i32
      }
      %scan3A_45 = arith.constant 12 : i32
      %swap3A_46 = arith.constant 1 : i32
      %swap3A_47 = arith.index_cast %add3A_37 : i32 to index
      %swap3A_48 = arith.index_cast %swap3A_46 : i32 to index
      %swap3A_49 = memref.load %arg4[%swap3A_47, %swap3A_48] : memref<64x2xi32, #tpu.memory_space<smem>>
      memref.store %scan3A_44#0, %arg4[%swap3A_47, %swap3A_48] : memref<64x2xi32, #tpu.memory_space<smem>>
      %add3A_50 = arith.constant 1 : i32
      %add3A_51 = arith.addi %add3A_37, %add3A_50 : i32
      %lt3A = arith.cmpi slt, %add3A_51, %min3A_2 : i32
      %convert_element_type3A = arith.extui %lt3A : i1 to i32
      %cond3A = arith.constant 0 : i32
      %cond3A_52 = arith.cmpi ne, %convert_element_type3A, %cond3A : i32
      scf.if %cond3A_52 {
        %add3A_53 = arith.constant 1 : i32
        %add3A_54 = arith.addi %add3A_37, %add3A_53 : i32
        %swap3A_55 = arith.constant 0 : i32
        %swap3A_56 = arith.index_cast %add3A_54 : i32 to index
        %swap3A_57 = arith.index_cast %swap3A_55 : i32 to index
        %swap3A_58 = memref.load %arg4[%swap3A_56, %swap3A_57] : memref<64x2xi32, #tpu.memory_space<smem>>
        memref.store %scan3A_44#0, %arg4[%swap3A_56, %swap3A_57] : memref<64x2xi32, #tpu.memory_space<smem>>
      } else {
      }
    }
    %dma_start3A = arith.constant 0 : i32
    %dma_start3A_29 = tpu.memref_slice %arg2[%mul3A_0, %dma_start3A] : memref<64x2xi32, #tpu.memory_space<hbm>> -> memref<32x2xi32, #tpu.memory_space<hbm>>
    %dma_start3A_30 = arith.constant 0 : i32
    %dma_start3A_31 = tpu.memref_slice %arg4[%mul3A_0, %dma_start3A_30] : memref<64x2xi32, #tpu.memory_space<smem>> -> memref<32x2xi32, #tpu.memory_space<smem>>
    tpu.enqueue_dma source(%dma_start3A_31 : memref<32x2xi32, #tpu.memory_space<smem>>) target(%dma_start3A_29 : memref<32x2xi32, #tpu.memory_space<hbm>>) target_semaphore(%arg5 : memref<!tpu.dma_semaphore, #tpu.memory_space<semaphore_mem>>)
    %dma_wait3A = arith.constant 0 : i32
    %dma_wait3A_32 = tpu.memref_slice %arg2[%mul3A_0, %dma_wait3A] : memref<64x2xi32, #tpu.memory_space<hbm>> -> memref<32x2xi32, #tpu.memory_space<hbm>>
    %dma_wait3A_33 = arith.constant 0 : i32
    %dma_wait3A_34 = tpu.memref_slice %arg4[%mul3A_0, %dma_wait3A_33] : memref<64x2xi32, #tpu.memory_space<smem>> -> memref<32x2xi32, #tpu.memory_space<smem>>
    tpu.wait_dma2 semaphore(%arg5 : memref<!tpu.dma_semaphore, #tpu.memory_space<semaphore_mem>>) src(%dma_wait3A_34 : memref<32x2xi32, #tpu.memory_space<smem>>) dst(%dma_wait3A_32 : memref<32x2xi32, #tpu.memory_space<hbm>>)
    return
  }
}

module attributes {stable_mosaic.version = 14 : i64} {
  func.func @_gmm_kernel(%arg0: i32, %arg1: memref<64x2xi32, #tpu.memory_space<smem>>, %arg2: memref<2048x768xf32, #tpu.memory_space<vmem>>, %arg3: memref<64x768x768xbf16, #tpu.memory_space<any>>, %arg4: memref<64x768xf32, #tpu.memory_space<vmem>>, %arg5: memref<2048x768xf32, #tpu.memory_space<vmem>>, %arg6: memref<4x768x768xbf16, #tpu.memory_space<vmem>>, %arg7: memref<4x!tpu.dma_semaphore, #tpu.memory_space<semaphore_mem>>) attributes {dimension_semantics = [#tpu.dimension_semantics<arbitrary>], iteration_bounds = array<i64: 1>, scalar_prefetch = 1 : i64, scratch_operands = 2 : i64, tpu.core_type = #tpu.core_type<tc>, window_params = [{pipeline_mode = #tpu.pipeline_mode<synchronous>, transform_indices = @transform_0, window_bounds = array<i64: 2048, 768>}, {}, {pipeline_mode = #tpu.pipeline_mode<synchronous>, transform_indices = @transform_2, window_bounds = array<i64: 64, 768>}, {pipeline_mode = #tpu.pipeline_mode<synchronous>, transform_indices = @transform_3, window_bounds = array<i64: 2048, 768>}]} {
    %dma_start3A = arith.constant 0 : i32
    %dma_start3A_0 = arith.constant 0 : i32
    %dma_start3A_1 = arith.constant 0 : i32
    %dma_start3A_2 = tpu.memref_slice %arg7[%dma_start3A_1] : memref<4x!tpu.dma_semaphore, #tpu.memory_space<semaphore_mem>> -> memref<1x!tpu.dma_semaphore, #tpu.memory_space<semaphore_mem>>
    %dma_start3A_3 = tpu.memref_squeeze %dma_start3A_2 : memref<1x!tpu.dma_semaphore, #tpu.memory_space<semaphore_mem>> -> memref<!tpu.dma_semaphore, #tpu.memory_space<semaphore_mem>>
    %dma_start3A_4 = arith.constant 0 : i32
    %dma_start3A_5 = arith.constant 0 : i32
    %dma_start3A_6 = tpu.memref_slice %arg6[%dma_start3A_0, %dma_start3A_4, %dma_start3A_5] : memref<4x768x768xbf16, #tpu.memory_space<vmem>> -> memref<1x768x768xbf16, #tpu.memory_space<vmem>>
    %dma_start3A_7 = tpu.memref_squeeze %dma_start3A_6 : memref<1x768x768xbf16, #tpu.memory_space<vmem>> -> memref<768x768xbf16, #tpu.memory_space<vmem>>
    %dma_start3A_8 = arith.constant 0 : i32
    %dma_start3A_9 = arith.constant 0 : i32
    %dma_start3A_10 = tpu.memref_slice %arg3[%dma_start3A, %dma_start3A_8, %dma_start3A_9] : memref<64x768x768xbf16, #tpu.memory_space<any>> -> memref<1x768x768xbf16, #tpu.memory_space<any>>
    %dma_start3A_11 = tpu.memref_squeeze %dma_start3A_10 : memref<1x768x768xbf16, #tpu.memory_space<any>> -> memref<768x768xbf16, #tpu.memory_space<any>>
    tpu.enqueue_dma source(%dma_start3A_11 : memref<768x768xbf16, #tpu.memory_space<any>>) target(%dma_start3A_7 : memref<768x768xbf16, #tpu.memory_space<vmem>>) target_semaphore(%dma_start3A_3 : memref<!tpu.dma_semaphore, #tpu.memory_space<semaphore_mem>>)
    %dma_start3A_12 = arith.constant 1 : i32
    %dma_start3A_13 = arith.constant 1 : i32
    %dma_start3A_14 = arith.constant 1 : i32
    %dma_start3A_15 = tpu.memref_slice %arg7[%dma_start3A_14] : memref<4x!tpu.dma_semaphore, #tpu.memory_space<semaphore_mem>> -> memref<1x!tpu.dma_semaphore, #tpu.memory_space<semaphore_mem>>
    %dma_start3A_16 = tpu.memref_squeeze %dma_start3A_15 : memref<1x!tpu.dma_semaphore, #tpu.memory_space<semaphore_mem>> -> memref<!tpu.dma_semaphore, #tpu.memory_space<semaphore_mem>>
    %dma_start3A_17 = arith.constant 0 : i32
    %dma_start3A_18 = arith.constant 0 : i32
    %dma_start3A_19 = tpu.memref_slice %arg6[%dma_start3A_13, %dma_start3A_17, %dma_start3A_18] : memref<4x768x768xbf16, #tpu.memory_space<vmem>> -> memref<1x768x768xbf16, #tpu.memory_space<vmem>>
    %dma_start3A_20 = tpu.memref_squeeze %dma_start3A_19 : memref<1x768x768xbf16, #tpu.memory_space<vmem>> -> memref<768x768xbf16, #tpu.memory_space<vmem>>
    %dma_start3A_21 = arith.constant 0 : i32
    %dma_start3A_22 = arith.constant 0 : i32
    %dma_start3A_23 = tpu.memref_slice %arg3[%dma_start3A_12, %dma_start3A_21, %dma_start3A_22] : memref<64x768x768xbf16, #tpu.memory_space<any>> -> memref<1x768x768xbf16, #tpu.memory_space<any>>
    %dma_start3A_24 = tpu.memref_squeeze %dma_start3A_23 : memref<1x768x768xbf16, #tpu.memory_space<any>> -> memref<768x768xbf16, #tpu.memory_space<any>>
    tpu.enqueue_dma source(%dma_start3A_24 : memref<768x768xbf16, #tpu.memory_space<any>>) target(%dma_start3A_20 : memref<768x768xbf16, #tpu.memory_space<vmem>>) target_semaphore(%dma_start3A_16 : memref<!tpu.dma_semaphore, #tpu.memory_space<semaphore_mem>>)
    %dma_start3A_25 = arith.constant 2 : i32
    %dma_start3A_26 = arith.constant 2 : i32
    %dma_start3A_27 = arith.constant 2 : i32
    %dma_start3A_28 = tpu.memref_slice %arg7[%dma_start3A_27] : memref<4x!tpu.dma_semaphore, #tpu.memory_space<semaphore_mem>> -> memref<1x!tpu.dma_semaphore, #tpu.memory_space<semaphore_mem>>
    %dma_start3A_29 = tpu.memref_squeeze %dma_start3A_28 : memref<1x!tpu.dma_semaphore, #tpu.memory_space<semaphore_mem>> -> memref<!tpu.dma_semaphore, #tpu.memory_space<semaphore_mem>>
    %dma_start3A_30 = arith.constant 0 : i32
    %dma_start3A_31 = arith.constant 0 : i32
    %dma_start3A_32 = tpu.memref_slice %arg6[%dma_start3A_26, %dma_start3A_30, %dma_start3A_31] : memref<4x768x768xbf16, #tpu.memory_space<vmem>> -> memref<1x768x768xbf16, #tpu.memory_space<vmem>>
    %dma_start3A_33 = tpu.memref_squeeze %dma_start3A_32 : memref<1x768x768xbf16, #tpu.memory_space<vmem>> -> memref<768x768xbf16, #tpu.memory_space<vmem>>
    %dma_start3A_34 = arith.constant 0 : i32
    %dma_start3A_35 = arith.constant 0 : i32
    %dma_start3A_36 = tpu.memref_slice %arg3[%dma_start3A_25, %dma_start3A_34, %dma_start3A_35] : memref<64x768x768xbf16, #tpu.memory_space<any>> -> memref<1x768x768xbf16, #tpu.memory_space<any>>
    %dma_start3A_37 = tpu.memref_squeeze %dma_start3A_36 : memref<1x768x768xbf16, #tpu.memory_space<any>> -> memref<768x768xbf16, #tpu.memory_space<any>>
    tpu.enqueue_dma source(%dma_start3A_37 : memref<768x768xbf16, #tpu.memory_space<any>>) target(%dma_start3A_33 : memref<768x768xbf16, #tpu.memory_space<vmem>>) target_semaphore(%dma_start3A_29 : memref<!tpu.dma_semaphore, #tpu.memory_space<semaphore_mem>>)
    %scan3A = arith.constant 0 : i32
    %scan3A_38 = arith.constant 32 : i32
    %scan3A_39 = arith.addi %scan3A, %scan3A_38 : i32
    %scan3A_40 = arith.constant 1 : i32
    scf.for %scan3A_42 = %scan3A to %scan3A_39 step %scan3A_40  : i32 {
      %mul3A = arith.constant 2 : i32
      %mul3A_43 = arith.muli %mul3A, %scan3A_42 : i32
      %add3A = arith.constant 4 : i32
      %add3A_44 = arith.addi %mul3A_43, %add3A : i32
      %sub3A = arith.constant 1 : i32
      %sub3A_45 = arith.subi %add3A_44, %sub3A : i32
      %lt3A = arith.constant 64 : i32
      %lt3A_46 = arith.cmpi slt, %sub3A_45, %lt3A : i32
      %convert_element_type3A = arith.extui %lt3A_46 : i1 to i32
      %cond3A = arith.constant 0 : i32
      %cond3A_47 = arith.cmpi ne, %convert_element_type3A, %cond3A : i32
      scf.if %cond3A_47 {
        %rem3A_227 = arith.constant 4 : i32
        %rem3A_228 = arith.remsi %sub3A_45, %rem3A_227 : i32
        %dma_start3A_229 = tpu.memref_slice %arg7[%rem3A_228] : memref<4x!tpu.dma_semaphore, #tpu.memory_space<semaphore_mem>> -> memref<1x!tpu.dma_semaphore, #tpu.memory_space<semaphore_mem>>
        %dma_start3A_230 = tpu.memref_squeeze %dma_start3A_229 : memref<1x!tpu.dma_semaphore, #tpu.memory_space<semaphore_mem>> -> memref<!tpu.dma_semaphore, #tpu.memory_space<semaphore_mem>>
        %dma_start3A_231 = arith.constant 0 : i32
        %dma_start3A_232 = arith.constant 0 : i32
        %dma_start3A_233 = tpu.memref_slice %arg6[%rem3A_228, %dma_start3A_231, %dma_start3A_232] : memref<4x768x768xbf16, #tpu.memory_space<vmem>> -> memref<1x768x768xbf16, #tpu.memory_space<vmem>>
        %dma_start3A_234 = tpu.memref_squeeze %dma_start3A_233 : memref<1x768x768xbf16, #tpu.memory_space<vmem>> -> memref<768x768xbf16, #tpu.memory_space<vmem>>
        %dma_start3A_235 = arith.constant 0 : i32
        %dma_start3A_236 = arith.constant 0 : i32
        %dma_start3A_237 = tpu.memref_slice %arg3[%sub3A_45, %dma_start3A_235, %dma_start3A_236] : memref<64x768x768xbf16, #tpu.memory_space<any>> -> memref<1x768x768xbf16, #tpu.memory_space<any>>
        %dma_start3A_238 = tpu.memref_squeeze %dma_start3A_237 : memref<1x768x768xbf16, #tpu.memory_space<any>> -> memref<768x768xbf16, #tpu.memory_space<any>>
        tpu.enqueue_dma source(%dma_start3A_238 : memref<768x768xbf16, #tpu.memory_space<any>>) target(%dma_start3A_234 : memref<768x768xbf16, #tpu.memory_space<vmem>>) target_semaphore(%dma_start3A_230 : memref<!tpu.dma_semaphore, #tpu.memory_space<semaphore_mem>>)
      } else {
      }
      %rem3A = arith.constant 4 : i32
      %rem3A_48 = arith.remsi %mul3A_43, %rem3A : i32
      %dma_wait3A = tpu.memref_slice %arg7[%rem3A_48] : memref<4x!tpu.dma_semaphore, #tpu.memory_space<semaphore_mem>> -> memref<1x!tpu.dma_semaphore, #tpu.memory_space<semaphore_mem>>
      %dma_wait3A_49 = tpu.memref_squeeze %dma_wait3A : memref<1x!tpu.dma_semaphore, #tpu.memory_space<semaphore_mem>> -> memref<!tpu.dma_semaphore, #tpu.memory_space<semaphore_mem>>
      %dma_wait3A_50 = arith.constant 0 : i32
      %dma_wait3A_51 = arith.constant 0 : i32
      %dma_wait3A_52 = tpu.memref_slice %arg6[%rem3A_48, %dma_wait3A_50, %dma_wait3A_51] : memref<4x768x768xbf16, #tpu.memory_space<vmem>> -> memref<1x768x768xbf16, #tpu.memory_space<vmem>>
      %dma_wait3A_53 = tpu.memref_squeeze %dma_wait3A_52 : memref<1x768x768xbf16, #tpu.memory_space<vmem>> -> memref<768x768xbf16, #tpu.memory_space<vmem>>
      %dma_wait3A_54 = arith.constant 0 : i32
      %dma_wait3A_55 = arith.constant 0 : i32
      %dma_wait3A_56 = tpu.memref_slice %arg3[%mul3A_43, %dma_wait3A_54, %dma_wait3A_55] : memref<64x768x768xbf16, #tpu.memory_space<any>> -> memref<1x768x768xbf16, #tpu.memory_space<any>>
      %dma_wait3A_57 = tpu.memref_squeeze %dma_wait3A_56 : memref<1x768x768xbf16, #tpu.memory_space<any>> -> memref<768x768xbf16, #tpu.memory_space<any>>
      tpu.wait_dma2 semaphore(%dma_wait3A_49 : memref<!tpu.dma_semaphore, #tpu.memory_space<semaphore_mem>>) src(%dma_wait3A_57 : memref<768x768xbf16, #tpu.memory_space<any>>) dst(%dma_wait3A_53 : memref<768x768xbf16, #tpu.memory_space<vmem>>)
      %get3A = arith.index_cast %mul3A_43 : i32 to index
      %get3A_58 = arith.constant 0 : index
      %get3A_59 = memref.load %arg1[%get3A, %get3A_58] : memref<64x2xi32, #tpu.memory_space<smem>>
      %get3A_60 = arith.index_cast %mul3A_43 : i32 to index
      %get3A_61 = arith.constant 1 : index
      %get3A_62 = memref.load %arg1[%get3A_60, %get3A_61] : memref<64x2xi32, #tpu.memory_space<smem>>
      %get3A_63 = arith.index_cast %mul3A_43 : i32 to index
      %get3A_64 = arith.constant 0 : index
      %get3A_65 = vector.load %arg4[%get3A_63, %get3A_64] : memref<64x768xf32, #tpu.memory_space<vmem>>, vector<1x768xf32>
      %get3A_66 = vector.shape_cast %get3A_65 : vector<1x768xf32> to vector<768xf32>
      %add3A_67 = arith.constant 1.000000e+00 : f32
      %add3A_68 = vector.broadcast %add3A_67 : f32 to vector<768xf32>
      %add3A_69 = arith.addf %get3A_66, %add3A_68 : vector<768xf32>
      %jit3A = arith.constant 128 : i32
      %div3A = arith.divsi %get3A_59, %jit3A : i32
      %sign3A = arith.constant 0 : i32
      %sign3A_70 = arith.cmpi sgt, %get3A_59, %sign3A : i32
      %sign3A_71 = arith.extui %sign3A_70 : i1 to i32
      %sign3A_72 = arith.constant 0 : i32
      %sign3A_73 = arith.cmpi slt, %get3A_59, %sign3A_72 : i32
      %sign3A_74 = arith.extui %sign3A_73 : i1 to i32
      %sign3A_75 = arith.subi %sign3A_71, %sign3A_74 : i32
      %sign3A_76 = arith.constant 0 : i32
      %sign3A_77 = arith.cmpi sgt, %jit3A, %sign3A_76 : i32
      %sign3A_78 = arith.extui %sign3A_77 : i1 to i32
      %sign3A_79 = arith.constant 0 : i32
      %sign3A_80 = arith.cmpi slt, %jit3A, %sign3A_79 : i32
      %sign3A_81 = arith.extui %sign3A_80 : i1 to i32
      %sign3A_82 = arith.subi %sign3A_78, %sign3A_81 : i32
      %ne3A = arith.cmpi ne, %sign3A_75, %sign3A_82 : i32
      %rem3A_83 = arith.remsi %get3A_59, %jit3A : i32
      %ne3A_84 = arith.constant 0 : i32
      %ne3A_85 = arith.cmpi ne, %rem3A_83, %ne3A_84 : i32
      %and3A = arith.andi %ne3A, %ne3A_85 : i1
      %sub3A_86 = arith.constant 1 : i32
      %sub3A_87 = arith.subi %div3A, %sub3A_86 : i32
      %select_n3A = arith.select %and3A, %sub3A_87, %div3A : i32
      %add3A_88 = arith.constant 128 : i32
      %add3A_89 = arith.addi %get3A_62, %add3A_88 : i32
      %sub3A_90 = arith.constant 1 : i32
      %sub3A_91 = arith.subi %add3A_89, %sub3A_90 : i32
      %jit3A_92 = arith.constant 128 : i32
      %div3A_93 = arith.divsi %sub3A_91, %jit3A_92 : i32
      %sign3A_94 = arith.constant 0 : i32
      %sign3A_95 = arith.cmpi sgt, %sub3A_91, %sign3A_94 : i32
      %sign3A_96 = arith.extui %sign3A_95 : i1 to i32
      %sign3A_97 = arith.constant 0 : i32
      %sign3A_98 = arith.cmpi slt, %sub3A_91, %sign3A_97 : i32
      %sign3A_99 = arith.extui %sign3A_98 : i1 to i32
      %sign3A_100 = arith.subi %sign3A_96, %sign3A_99 : i32
      %sign3A_101 = arith.constant 0 : i32
      %sign3A_102 = arith.cmpi sgt, %jit3A_92, %sign3A_101 : i32
      %sign3A_103 = arith.extui %sign3A_102 : i1 to i32
      %sign3A_104 = arith.constant 0 : i32
      %sign3A_105 = arith.cmpi slt, %jit3A_92, %sign3A_104 : i32
      %sign3A_106 = arith.extui %sign3A_105 : i1 to i32
      %sign3A_107 = arith.subi %sign3A_103, %sign3A_106 : i32
      %ne3A_108 = arith.cmpi ne, %sign3A_100, %sign3A_107 : i32
      %rem3A_109 = arith.remsi %sub3A_91, %jit3A_92 : i32
      %ne3A_110 = arith.constant 0 : i32
      %ne3A_111 = arith.cmpi ne, %rem3A_109, %ne3A_110 : i32
      %and3A_112 = arith.andi %ne3A_108, %ne3A_111 : i1
      %sub3A_113 = arith.constant 1 : i32
      %sub3A_114 = arith.subi %div3A_93, %sub3A_113 : i32
      %select_n3A_115 = arith.select %and3A_112, %sub3A_114, %div3A_93 : i32
      %while3A = arith.constant 0 : i32
      %while3A_116 = arith.subi %select_n3A_115, %select_n3A : i32
      %while3A_117 = arith.addi %select_n3A, %while3A_116 : i32
      %while3A_118 = arith.constant 1 : i32
      %while3A_119 = arith.divsi %while3A_116, %while3A_118 : i32
      %while3A_120 = arith.muli %while3A_119, %while3A_118 : i32
      %while3A_121 = arith.addi %select_n3A, %while3A_120 : i32
      %while3A_122 = arith.constant 1 : i32
      %while3A_123 = scf.for %while3A_227 = %select_n3A to %while3A_121 step %while3A_122 iter_args(%while3A_228 = %while3A) -> (i32)  : i32 {
        %mul3A_229 = arith.constant 128 : i32
        %mul3A_230 = arith.muli %while3A_227, %mul3A_229 : i32
        %get3A_231 = arith.index_cast %mul3A_230 : i32 to index
        %get3A_232 = arith.constant 0 : index
        %get3A_233 = vector.load %arg2[%get3A_231, %get3A_232] : memref<2048x768xf32, #tpu.memory_space<vmem>>, vector<128x768xf32>
        %broadcast_in_dim3A = vector.shape_cast %add3A_69 : vector<768xf32> to vector<1x768xf32>
        %mul3A_234 = vector.broadcast %broadcast_in_dim3A : vector<1x768xf32> to vector<128x768xf32>
        %mul3A_235 = arith.mulf %get3A_233, %mul3A_234 : vector<128x768xf32>
        %convert_element_type3A_236 = arith.truncf %mul3A_235 : vector<128x768xf32> to vector<128x768xbf16>
        %get3A_237 = arith.index_cast %rem3A_48 : i32 to index
        %get3A_238 = arith.constant 0 : index
        %get3A_239 = arith.constant 0 : index
        %get3A_240 = vector.load %arg6[%get3A_237, %get3A_238, %get3A_239] : memref<4x768x768xbf16, #tpu.memory_space<vmem>>, vector<1x768x768xbf16>
        %get3A_241 = vector.shape_cast %get3A_240 : vector<1x768x768xbf16> to vector<768x768xbf16>
        %dot_general3A = arith.constant dense<0.000000e+00> : vector<128x768xf32>
        %dot_general3A_242 = tpu.matmul %convert_element_type3A_236, %get3A_241, %dot_general3A {dimension_numbers = #tpu.dot_dimension_numbers<[1], [1], [0], [0], [0, 0, 1, 0], [], []>, transpose_lhs_hint = false} : vector<128x768xbf16>, vector<768x768xbf16>, vector<128x768xf32> -> vector<128x768xf32>
        %iota3A = tpu.iota {dimensions = array<i32: 0>} : vector<128x1xi32>
        %add3A_243 = vector.broadcast %mul3A_230 : i32 to vector<128x1xi32>
        %add3A_244 = arith.addi %add3A_243, %iota3A : vector<128x1xi32>
        %ge3A = vector.broadcast %get3A_59 : i32 to vector<128x1xi32>
        %ge3A_245 = arith.cmpi sge, %add3A_244, %ge3A : vector<128x1xi32>
        %lt3A_246 = vector.broadcast %get3A_62 : i32 to vector<128x1xi32>
        %lt3A_247 = arith.cmpi slt, %add3A_244, %lt3A_246 : vector<128x1xi32>
        %and3A_248 = arith.andi %ge3A_245, %lt3A_247 : vector<128x1xi1>
        %get3A_249 = arith.index_cast %mul3A_230 : i32 to index
        %get3A_250 = arith.constant 0 : index
        %get3A_251 = vector.load %arg5[%get3A_249, %get3A_250] : memref<2048x768xf32, #tpu.memory_space<vmem>>, vector<128x768xf32>
        %broadcast_in_dim3A_252 = vector.shape_cast %and3A_248 : vector<128x1xi1> to vector<128x1xi1>
        %broadcast_in_dim3A_253 = vector.broadcast %broadcast_in_dim3A_252 : vector<128x1xi1> to vector<128x768xi1>
        %select_n3A_254 = arith.select %broadcast_in_dim3A_253, %dot_general3A_242, %get3A_251 : vector<128x768xi1>, vector<128x768xf32>
        %swap3A = arith.index_cast %mul3A_230 : i32 to index
        %swap3A_255 = arith.constant 0 : index
        %swap3A_256 = vector.load %arg5[%swap3A, %swap3A_255] : memref<2048x768xf32, #tpu.memory_space<vmem>>, vector<128x768xf32>
        tpu.vector_store %arg5[%swap3A, %swap3A_255], %select_n3A_254 {strides = array<i32>} : memref<2048x768xf32, #tpu.memory_space<vmem>>, vector<128x768xf32>,
        %while3A_257 = arith.constant 0 : i32
        scf.yield %while3A_257 : i32
      }
      %while3A_124 = arith.constant 1 : i32
      %while3A_125 = scf.for %while3A_227 = %while3A_121 to %while3A_117 step %while3A_124 iter_args(%while3A_228 = %while3A_123) -> (i32)  : i32 {
        %mul3A_229 = arith.constant 128 : i32
        %mul3A_230 = arith.muli %while3A_227, %mul3A_229 : i32
        %get3A_231 = arith.index_cast %mul3A_230 : i32 to index
        %get3A_232 = arith.constant 0 : index
        %get3A_233 = vector.load %arg2[%get3A_231, %get3A_232] : memref<2048x768xf32, #tpu.memory_space<vmem>>, vector<128x768xf32>
        %broadcast_in_dim3A = vector.shape_cast %add3A_69 : vector<768xf32> to vector<1x768xf32>
        %mul3A_234 = vector.broadcast %broadcast_in_dim3A : vector<1x768xf32> to vector<128x768xf32>
        %mul3A_235 = arith.mulf %get3A_233, %mul3A_234 : vector<128x768xf32>
        %convert_element_type3A_236 = arith.truncf %mul3A_235 : vector<128x768xf32> to vector<128x768xbf16>
        %get3A_237 = arith.index_cast %rem3A_48 : i32 to index
        %get3A_238 = arith.constant 0 : index
        %get3A_239 = arith.constant 0 : index
        %get3A_240 = vector.load %arg6[%get3A_237, %get3A_238, %get3A_239] : memref<4x768x768xbf16, #tpu.memory_space<vmem>>, vector<1x768x768xbf16>
        %get3A_241 = vector.shape_cast %get3A_240 : vector<1x768x768xbf16> to vector<768x768xbf16>
        %dot_general3A = arith.constant dense<0.000000e+00> : vector<128x768xf32>
        %dot_general3A_242 = tpu.matmul %convert_element_type3A_236, %get3A_241, %dot_general3A {dimension_numbers = #tpu.dot_dimension_numbers<[1], [1], [0], [0], [0, 0, 1, 0], [], []>, transpose_lhs_hint = false} : vector<128x768xbf16>, vector<768x768xbf16>, vector<128x768xf32> -> vector<128x768xf32>
        %iota3A = tpu.iota {dimensions = array<i32: 0>} : vector<128x1xi32>
        %add3A_243 = vector.broadcast %mul3A_230 : i32 to vector<128x1xi32>
        %add3A_244 = arith.addi %add3A_243, %iota3A : vector<128x1xi32>
        %ge3A = vector.broadcast %get3A_59 : i32 to vector<128x1xi32>
        %ge3A_245 = arith.cmpi sge, %add3A_244, %ge3A : vector<128x1xi32>
        %lt3A_246 = vector.broadcast %get3A_62 : i32 to vector<128x1xi32>
        %lt3A_247 = arith.cmpi slt, %add3A_244, %lt3A_246 : vector<128x1xi32>
        %and3A_248 = arith.andi %ge3A_245, %lt3A_247 : vector<128x1xi1>
        %get3A_249 = arith.index_cast %mul3A_230 : i32 to index
        %get3A_250 = arith.constant 0 : index
        %get3A_251 = vector.load %arg5[%get3A_249, %get3A_250] : memref<2048x768xf32, #tpu.memory_space<vmem>>, vector<128x768xf32>
        %broadcast_in_dim3A_252 = vector.shape_cast %and3A_248 : vector<128x1xi1> to vector<128x1xi1>
        %broadcast_in_dim3A_253 = vector.broadcast %broadcast_in_dim3A_252 : vector<128x1xi1> to vector<128x768xi1>
        %select_n3A_254 = arith.select %broadcast_in_dim3A_253, %dot_general3A_242, %get3A_251 : vector<128x768xi1>, vector<128x768xf32>
        %swap3A = arith.index_cast %mul3A_230 : i32 to index
        %swap3A_255 = arith.constant 0 : index
        %swap3A_256 = vector.load %arg5[%swap3A, %swap3A_255] : memref<2048x768xf32, #tpu.memory_space<vmem>>, vector<128x768xf32>
        tpu.vector_store %arg5[%swap3A, %swap3A_255], %select_n3A_254 {strides = array<i32>} : memref<2048x768xf32, #tpu.memory_space<vmem>>, vector<128x768xf32>,
        %while3A_257 = arith.constant 0 : i32
        scf.yield %while3A_257 : i32
      }
      %mul3A_126 = arith.constant 2 : i32
      %mul3A_127 = arith.muli %mul3A_126, %scan3A_42 : i32
      %add3A_128 = arith.constant 1 : i32
      %add3A_129 = arith.addi %mul3A_127, %add3A_128 : i32
      %add3A_130 = arith.constant 4 : i32
      %add3A_131 = arith.addi %add3A_129, %add3A_130 : i32
      %sub3A_132 = arith.constant 1 : i32
      %sub3A_133 = arith.subi %add3A_131, %sub3A_132 : i32
      %lt3A_134 = arith.constant 64 : i32
      %lt3A_135 = arith.cmpi slt, %sub3A_133, %lt3A_134 : i32
      %convert_element_type3A_136 = arith.extui %lt3A_135 : i1 to i32
      %cond3A_137 = arith.constant 0 : i32
      %cond3A_138 = arith.cmpi ne, %convert_element_type3A_136, %cond3A_137 : i32
      scf.if %cond3A_138 {
        %rem3A_227 = arith.constant 4 : i32
        %rem3A_228 = arith.remsi %sub3A_133, %rem3A_227 : i32
        %dma_start3A_229 = tpu.memref_slice %arg7[%rem3A_228] : memref<4x!tpu.dma_semaphore, #tpu.memory_space<semaphore_mem>> -> memref<1x!tpu.dma_semaphore, #tpu.memory_space<semaphore_mem>>
        %dma_start3A_230 = tpu.memref_squeeze %dma_start3A_229 : memref<1x!tpu.dma_semaphore, #tpu.memory_space<semaphore_mem>> -> memref<!tpu.dma_semaphore, #tpu.memory_space<semaphore_mem>>
        %dma_start3A_231 = arith.constant 0 : i32
        %dma_start3A_232 = arith.constant 0 : i32
        %dma_start3A_233 = tpu.memref_slice %arg6[%rem3A_228, %dma_start3A_231, %dma_start3A_232] : memref<4x768x768xbf16, #tpu.memory_space<vmem>> -> memref<1x768x768xbf16, #tpu.memory_space<vmem>>
        %dma_start3A_234 = tpu.memref_squeeze %dma_start3A_233 : memref<1x768x768xbf16, #tpu.memory_space<vmem>> -> memref<768x768xbf16, #tpu.memory_space<vmem>>
        %dma_start3A_235 = arith.constant 0 : i32
        %dma_start3A_236 = arith.constant 0 : i32
        %dma_start3A_237 = tpu.memref_slice %arg3[%sub3A_133, %dma_start3A_235, %dma_start3A_236] : memref<64x768x768xbf16, #tpu.memory_space<any>> -> memref<1x768x768xbf16, #tpu.memory_space<any>>
        %dma_start3A_238 = tpu.memref_squeeze %dma_start3A_237 : memref<1x768x768xbf16, #tpu.memory_space<any>> -> memref<768x768xbf16, #tpu.memory_space<any>>
        tpu.enqueue_dma source(%dma_start3A_238 : memref<768x768xbf16, #tpu.memory_space<any>>) target(%dma_start3A_234 : memref<768x768xbf16, #tpu.memory_space<vmem>>) target_semaphore(%dma_start3A_230 : memref<!tpu.dma_semaphore, #tpu.memory_space<semaphore_mem>>)
      } else {
      }
      %rem3A_139 = arith.constant 4 : i32
      %rem3A_140 = arith.remsi %add3A_129, %rem3A_139 : i32
      %dma_wait3A_141 = tpu.memref_slice %arg7[%rem3A_140] : memref<4x!tpu.dma_semaphore, #tpu.memory_space<semaphore_mem>> -> memref<1x!tpu.dma_semaphore, #tpu.memory_space<semaphore_mem>>
      %dma_wait3A_142 = tpu.memref_squeeze %dma_wait3A_141 : memref<1x!tpu.dma_semaphore, #tpu.memory_space<semaphore_mem>> -> memref<!tpu.dma_semaphore, #tpu.memory_space<semaphore_mem>>
      %dma_wait3A_143 = arith.constant 0 : i32
      %dma_wait3A_144 = arith.constant 0 : i32
      %dma_wait3A_145 = tpu.memref_slice %arg6[%rem3A_140, %dma_wait3A_143, %dma_wait3A_144] : memref<4x768x768xbf16, #tpu.memory_space<vmem>> -> memref<1x768x768xbf16, #tpu.memory_space<vmem>>
      %dma_wait3A_146 = tpu.memref_squeeze %dma_wait3A_145 : memref<1x768x768xbf16, #tpu.memory_space<vmem>> -> memref<768x768xbf16, #tpu.memory_space<vmem>>
      %dma_wait3A_147 = arith.constant 0 : i32
      %dma_wait3A_148 = arith.constant 0 : i32
      %dma_wait3A_149 = tpu.memref_slice %arg3[%add3A_129, %dma_wait3A_147, %dma_wait3A_148] : memref<64x768x768xbf16, #tpu.memory_space<any>> -> memref<1x768x768xbf16, #tpu.memory_space<any>>
      %dma_wait3A_150 = tpu.memref_squeeze %dma_wait3A_149 : memref<1x768x768xbf16, #tpu.memory_space<any>> -> memref<768x768xbf16, #tpu.memory_space<any>>
      tpu.wait_dma2 semaphore(%dma_wait3A_142 : memref<!tpu.dma_semaphore, #tpu.memory_space<semaphore_mem>>) src(%dma_wait3A_150 : memref<768x768xbf16, #tpu.memory_space<any>>) dst(%dma_wait3A_146 : memref<768x768xbf16, #tpu.memory_space<vmem>>)
      %get3A_151 = arith.index_cast %add3A_129 : i32 to index
      %get3A_152 = arith.constant 0 : index
      %get3A_153 = memref.load %arg1[%get3A_151, %get3A_152] : memref<64x2xi32, #tpu.memory_space<smem>>
      %get3A_154 = arith.index_cast %add3A_129 : i32 to index
      %get3A_155 = arith.constant 1 : index
      %get3A_156 = memref.load %arg1[%get3A_154, %get3A_155] : memref<64x2xi32, #tpu.memory_space<smem>>
      %get3A_157 = arith.index_cast %add3A_129 : i32 to index
      %get3A_158 = arith.constant 0 : index
      %get3A_159 = vector.load %arg4[%get3A_157, %get3A_158] : memref<64x768xf32, #tpu.memory_space<vmem>>, vector<1x768xf32>
      %get3A_160 = vector.shape_cast %get3A_159 : vector<1x768xf32> to vector<768xf32>
      %add3A_161 = arith.constant 1.000000e+00 : f32
      %add3A_162 = vector.broadcast %add3A_161 : f32 to vector<768xf32>
      %add3A_163 = arith.addf %get3A_160, %add3A_162 : vector<768xf32>
      %jit3A_164 = arith.constant 128 : i32
      %div3A_165 = arith.divsi %get3A_153, %jit3A_164 : i32
      %sign3A_166 = arith.constant 0 : i32
      %sign3A_167 = arith.cmpi sgt, %get3A_153, %sign3A_166 : i32
      %sign3A_168 = arith.extui %sign3A_167 : i1 to i32
      %sign3A_169 = arith.constant 0 : i32
      %sign3A_170 = arith.cmpi slt, %get3A_153, %sign3A_169 : i32
      %sign3A_171 = arith.extui %sign3A_170 : i1 to i32
      %sign3A_172 = arith.subi %sign3A_168, %sign3A_171 : i32
      %sign3A_173 = arith.constant 0 : i32
      %sign3A_174 = arith.cmpi sgt, %jit3A_164, %sign3A_173 : i32
      %sign3A_175 = arith.extui %sign3A_174 : i1 to i32
      %sign3A_176 = arith.constant 0 : i32
      %sign3A_177 = arith.cmpi slt, %jit3A_164, %sign3A_176 : i32
      %sign3A_178 = arith.extui %sign3A_177 : i1 to i32
      %sign3A_179 = arith.subi %sign3A_175, %sign3A_178 : i32
      %ne3A_180 = arith.cmpi ne, %sign3A_172, %sign3A_179 : i32
      %rem3A_181 = arith.remsi %get3A_153, %jit3A_164 : i32
      %ne3A_182 = arith.constant 0 : i32
      %ne3A_183 = arith.cmpi ne, %rem3A_181, %ne3A_182 : i32
      %and3A_184 = arith.andi %ne3A_180, %ne3A_183 : i1
      %sub3A_185 = arith.constant 1 : i32
      %sub3A_186 = arith.subi %div3A_165, %sub3A_185 : i32
      %select_n3A_187 = arith.select %and3A_184, %sub3A_186, %div3A_165 : i32
      %add3A_188 = arith.constant 128 : i32
      %add3A_189 = arith.addi %get3A_156, %add3A_188 : i32
      %sub3A_190 = arith.constant 1 : i32
      %sub3A_191 = arith.subi %add3A_189, %sub3A_190 : i32
      %jit3A_192 = arith.constant 128 : i32
      %div3A_193 = arith.divsi %sub3A_191, %jit3A_192 : i32
      %sign3A_194 = arith.constant 0 : i32
      %sign3A_195 = arith.cmpi sgt, %sub3A_191, %sign3A_194 : i32
      %sign3A_196 = arith.extui %sign3A_195 : i1 to i32
      %sign3A_197 = arith.constant 0 : i32
      %sign3A_198 = arith.cmpi slt, %sub3A_191, %sign3A_197 : i32
      %sign3A_199 = arith.extui %sign3A_198 : i1 to i32
      %sign3A_200 = arith.subi %sign3A_196, %sign3A_199 : i32
      %sign3A_201 = arith.constant 0 : i32
      %sign3A_202 = arith.cmpi sgt, %jit3A_192, %sign3A_201 : i32
      %sign3A_203 = arith.extui %sign3A_202 : i1 to i32
      %sign3A_204 = arith.constant 0 : i32
      %sign3A_205 = arith.cmpi slt, %jit3A_192, %sign3A_204 : i32
      %sign3A_206 = arith.extui %sign3A_205 : i1 to i32
      %sign3A_207 = arith.subi %sign3A_203, %sign3A_206 : i32
      %ne3A_208 = arith.cmpi ne, %sign3A_200, %sign3A_207 : i32
      %rem3A_209 = arith.remsi %sub3A_191, %jit3A_192 : i32
      %ne3A_210 = arith.constant 0 : i32
      %ne3A_211 = arith.cmpi ne, %rem3A_209, %ne3A_210 : i32
      %and3A_212 = arith.andi %ne3A_208, %ne3A_211 : i1
      %sub3A_213 = arith.constant 1 : i32
      %sub3A_214 = arith.subi %div3A_193, %sub3A_213 : i32
      %select_n3A_215 = arith.select %and3A_212, %sub3A_214, %div3A_193 : i32
      %while3A_216 = arith.constant 0 : i32
      %while3A_217 = arith.subi %select_n3A_215, %select_n3A_187 : i32
      %while3A_218 = arith.addi %select_n3A_187, %while3A_217 : i32
      %while3A_219 = arith.constant 1 : i32
      %while3A_220 = arith.divsi %while3A_217, %while3A_219 : i32
      %while3A_221 = arith.muli %while3A_220, %while3A_219 : i32
      %while3A_222 = arith.addi %select_n3A_187, %while3A_221 : i32
      %while3A_223 = arith.constant 1 : i32
      %while3A_224 = scf.for %while3A_227 = %select_n3A_187 to %while3A_222 step %while3A_223 iter_args(%while3A_228 = %while3A_216) -> (i32)  : i32 {
        %mul3A_229 = arith.constant 128 : i32
        %mul3A_230 = arith.muli %while3A_227, %mul3A_229 : i32
        %get3A_231 = arith.index_cast %mul3A_230 : i32 to index
        %get3A_232 = arith.constant 0 : index
        %get3A_233 = vector.load %arg2[%get3A_231, %get3A_232] : memref<2048x768xf32, #tpu.memory_space<vmem>>, vector<128x768xf32>
        %broadcast_in_dim3A = vector.shape_cast %add3A_163 : vector<768xf32> to vector<1x768xf32>
        %mul3A_234 = vector.broadcast %broadcast_in_dim3A : vector<1x768xf32> to vector<128x768xf32>
        %mul3A_235 = arith.mulf %get3A_233, %mul3A_234 : vector<128x768xf32>
        %convert_element_type3A_236 = arith.truncf %mul3A_235 : vector<128x768xf32> to vector<128x768xbf16>
        %get3A_237 = arith.index_cast %rem3A_140 : i32 to index
        %get3A_238 = arith.constant 0 : index
        %get3A_239 = arith.constant 0 : index
        %get3A_240 = vector.load %arg6[%get3A_237, %get3A_238, %get3A_239] : memref<4x768x768xbf16, #tpu.memory_space<vmem>>, vector<1x768x768xbf16>
        %get3A_241 = vector.shape_cast %get3A_240 : vector<1x768x768xbf16> to vector<768x768xbf16>
        %dot_general3A = arith.constant dense<0.000000e+00> : vector<128x768xf32>
        %dot_general3A_242 = tpu.matmul %convert_element_type3A_236, %get3A_241, %dot_general3A {dimension_numbers = #tpu.dot_dimension_numbers<[1], [1], [0], [0], [0, 0, 1, 0], [], []>, transpose_lhs_hint = false} : vector<128x768xbf16>, vector<768x768xbf16>, vector<128x768xf32> -> vector<128x768xf32>
        %iota3A = tpu.iota {dimensions = array<i32: 0>} : vector<128x1xi32>
        %add3A_243 = vector.broadcast %mul3A_230 : i32 to vector<128x1xi32>
        %add3A_244 = arith.addi %add3A_243, %iota3A : vector<128x1xi32>
        %ge3A = vector.broadcast %get3A_153 : i32 to vector<128x1xi32>
        %ge3A_245 = arith.cmpi sge, %add3A_244, %ge3A : vector<128x1xi32>
        %lt3A_246 = vector.broadcast %get3A_156 : i32 to vector<128x1xi32>
        %lt3A_247 = arith.cmpi slt, %add3A_244, %lt3A_246 : vector<128x1xi32>
        %and3A_248 = arith.andi %ge3A_245, %lt3A_247 : vector<128x1xi1>
        %get3A_249 = arith.index_cast %mul3A_230 : i32 to index
        %get3A_250 = arith.constant 0 : index
        %get3A_251 = vector.load %arg5[%get3A_249, %get3A_250] : memref<2048x768xf32, #tpu.memory_space<vmem>>, vector<128x768xf32>
        %broadcast_in_dim3A_252 = vector.shape_cast %and3A_248 : vector<128x1xi1> to vector<128x1xi1>
        %broadcast_in_dim3A_253 = vector.broadcast %broadcast_in_dim3A_252 : vector<128x1xi1> to vector<128x768xi1>
        %select_n3A_254 = arith.select %broadcast_in_dim3A_253, %dot_general3A_242, %get3A_251 : vector<128x768xi1>, vector<128x768xf32>
        %swap3A = arith.index_cast %mul3A_230 : i32 to index
        %swap3A_255 = arith.constant 0 : index
        %swap3A_256 = vector.load %arg5[%swap3A, %swap3A_255] : memref<2048x768xf32, #tpu.memory_space<vmem>>, vector<128x768xf32>
        tpu.vector_store %arg5[%swap3A, %swap3A_255], %select_n3A_254 {strides = array<i32>} : memref<2048x768xf32, #tpu.memory_space<vmem>>, vector<128x768xf32>,
        %while3A_257 = arith.constant 0 : i32
        scf.yield %while3A_257 : i32
      }
      %while3A_225 = arith.constant 1 : i32
      %while3A_226 = scf.for %while3A_227 = %while3A_222 to %while3A_218 step %while3A_225 iter_args(%while3A_228 = %while3A_224) -> (i32)  : i32 {
        %mul3A_229 = arith.constant 128 : i32
        %mul3A_230 = arith.muli %while3A_227, %mul3A_229 : i32
        %get3A_231 = arith.index_cast %mul3A_230 : i32 to index
        %get3A_232 = arith.constant 0 : index
        %get3A_233 = vector.load %arg2[%get3A_231, %get3A_232] : memref<2048x768xf32, #tpu.memory_space<vmem>>, vector<128x768xf32>
        %broadcast_in_dim3A = vector.shape_cast %add3A_163 : vector<768xf32> to vector<1x768xf32>
        %mul3A_234 = vector.broadcast %broadcast_in_dim3A : vector<1x768xf32> to vector<128x768xf32>
        %mul3A_235 = arith.mulf %get3A_233, %mul3A_234 : vector<128x768xf32>
        %convert_element_type3A_236 = arith.truncf %mul3A_235 : vector<128x768xf32> to vector<128x768xbf16>
        %get3A_237 = arith.index_cast %rem3A_140 : i32 to index
        %get3A_238 = arith.constant 0 : index
        %get3A_239 = arith.constant 0 : index
        %get3A_240 = vector.load %arg6[%get3A_237, %get3A_238, %get3A_239] : memref<4x768x768xbf16, #tpu.memory_space<vmem>>, vector<1x768x768xbf16>
        %get3A_241 = vector.shape_cast %get3A_240 : vector<1x768x768xbf16> to vector<768x768xbf16>
        %dot_general3A = arith.constant dense<0.000000e+00> : vector<128x768xf32>
        %dot_general3A_242 = tpu.matmul %convert_element_type3A_236, %get3A_241, %dot_general3A {dimension_numbers = #tpu.dot_dimension_numbers<[1], [1], [0], [0], [0, 0, 1, 0], [], []>, transpose_lhs_hint = false} : vector<128x768xbf16>, vector<768x768xbf16>, vector<128x768xf32> -> vector<128x768xf32>
        %iota3A = tpu.iota {dimensions = array<i32: 0>} : vector<128x1xi32>
        %add3A_243 = vector.broadcast %mul3A_230 : i32 to vector<128x1xi32>
        %add3A_244 = arith.addi %add3A_243, %iota3A : vector<128x1xi32>
        %ge3A = vector.broadcast %get3A_153 : i32 to vector<128x1xi32>
        %ge3A_245 = arith.cmpi sge, %add3A_244, %ge3A : vector<128x1xi32>
        %lt3A_246 = vector.broadcast %get3A_156 : i32 to vector<128x1xi32>
        %lt3A_247 = arith.cmpi slt, %add3A_244, %lt3A_246 : vector<128x1xi32>
        %and3A_248 = arith.andi %ge3A_245, %lt3A_247 : vector<128x1xi1>
        %get3A_249 = arith.index_cast %mul3A_230 : i32 to index
        %get3A_250 = arith.constant 0 : index
        %get3A_251 = vector.load %arg5[%get3A_249, %get3A_250] : memref<2048x768xf32, #tpu.memory_space<vmem>>, vector<128x768xf32>
        %broadcast_in_dim3A_252 = vector.shape_cast %and3A_248 : vector<128x1xi1> to vector<128x1xi1>
        %broadcast_in_dim3A_253 = vector.broadcast %broadcast_in_dim3A_252 : vector<128x1xi1> to vector<128x768xi1>
        %select_n3A_254 = arith.select %broadcast_in_dim3A_253, %dot_general3A_242, %get3A_251 : vector<128x768xi1>, vector<128x768xf32>
        %swap3A = arith.index_cast %mul3A_230 : i32 to index
        %swap3A_255 = arith.constant 0 : index
        %swap3A_256 = vector.load %arg5[%swap3A, %swap3A_255] : memref<2048x768xf32, #tpu.memory_space<vmem>>, vector<128x768xf32>
        tpu.vector_store %arg5[%swap3A, %swap3A_255], %select_n3A_254 {strides = array<i32>} : memref<2048x768xf32, #tpu.memory_space<vmem>>, vector<128x768xf32>,
        %while3A_257 = arith.constant 0 : i32
        scf.yield %while3A_257 : i32
      }
    }
    %scan3A_41 = arith.constant 32 : i32
    return
  }
  func.func @transform_0(%arg0: i32, %arg1: memref<64x2xi32, #tpu.memory_space<smem>>) -> (i32, i32) {
    %c0_i32 = arith.constant 0 : i32
    %c0_i32_0 = arith.constant 0 : i32
    %c0_i32_1 = arith.constant 0 : i32
    return %c0_i32, %c0_i32_0 : i32, i32
  }
  func.func @transform_2(%arg0: i32, %arg1: memref<64x2xi32, #tpu.memory_space<smem>>) -> (i32, i32) {
    %c0_i32 = arith.constant 0 : i32
    %c0_i32_0 = arith.constant 0 : i32
    %c0_i32_1 = arith.constant 0 : i32
    return %c0_i32, %c0_i32_0 : i32, i32
  }
  func.func @transform_3(%arg0: i32, %arg1: memref<64x2xi32, #tpu.memory_space<smem>>) -> (i32, i32) {
    %c0_i32 = arith.constant 0 : i32
    %c0_i32_0 = arith.constant 0 : i32
    %c0_i32_1 = arith.constant 0 : i32
    return %c0_i32, %c0_i32_0 : i32, i32
  }
}

</mosaic_0001>

<sc_bundles>
// kernel: kernel.4.cloned.1.call-start
scs
__scs_entry_jumppad:
0x0: {  	(pc) =	sbr.rel $0x88, $3  }
0x1: {  	(tag) =	ssettag $0x0;
	lr =	simm.s32 $0x1  }
0x2: {  	[smem:$0x3F9D] =	sst lr;
	_ =	strace $0xD0000000  }
0x3: {  	_ = 	snop  }
0x4: {  	_ = 	snop  }
0x5: {  	_ = 	snop  }
0x6: {  	_ = 	snop  }
0x7: {  	_ = 	snop  }
__scs_overlays_trampoline_lowered:
0x8: {  	[smem:$0x3FAC] =	sst s0  }
0x9: {  	[smem:$0x3FAD] =	sst s1  }
0xa: {  	[smem:$0x3FAE] =	sst s2  }
0xb: {  	[smem:$0x3FAF] =	sst s3  }
0xc: {  	[smem:$0x3FB0] =	sst s4  }
0xd: {  	[smem:$0x3FB1] =	sst s5  }
0xe: {  	[smem:$0x3FB2] =	sst s6  }
0xf: {  	[smem:$0x3FB3] =	sst s7  }
0x10: {  	[smem:$0x3FB4] =	sst s8  }
0x11: {  	[smem:$0x3FB5] =	sst s9;
	s0 =	simm.s32 @!p0 $0x0  }
0x12: {  	s1 =	sld [smem:$0x3F9B];
	s0 =	simm.s32 @p0 $0x1  }
0x13: {  	[smem:$0x3FB6] =	sst s0;
	s0 =	simm.s32 @!p1 $0x0  }
0x14: {  	s2 =	sld [smem:$0x3F9A];
	s0 =	simm.s32 @p1 $0x1  }
0x15: {  	[smem:$0x3FB7] =	sst s0;
	s0 =	simm.s32 @!p2 $0x0  }
0x16: {  	s3 =	sld [smem:$0x3FDB];
	s0 =	simm.s32 @p2 $0x1  }
0x17: {  	s4 =	simm.s32 $0x1BF5;
	[smem:$0x3FB9] =	sst s0  }
0x18: {  	s0 =	sld [smem:$0x3F9C];
	_ =	swait.ge [sflag:s4], $0x0  }
0x19: {  	s7 =	sld [smem:$0x3F9D]  }
0x1a: {  	s8 =	sadd.s32 $0xFFFFE003, lr  }
0x1b: {  	s9 =	sadd.s32 $0xFFFFFEF7, lr;
	s5 =	simm.s32 $0xFFFFFFFF;
	p2 =	slt.u32 s8, $0xFFFFF086  }
0x1c: {  	p1 =	slt.u32 s9, $0xF7A;
	s5 =	simm.s32 @!p2 $0x0  }
0x1d: {  	s5 =	simm.s32 @p1 $0x1;
	p0 =	seq.s32 s7, s2  }
0x1e: {  	s7 =	smul.u32 @!p0 $0xF7A, s2;
	p2 =	seq.s32 @!p0 s5, $0x0  }
0x1f: {  	s9 =	smul.u32 $0xF7A, s1;
	s8 =	simm.s32 @!p0 $0x1BF5;
	p2 =	por !p2, p0  }
0x20: {  	[sflag:s8] =	ssyncset.s32 @!p0 $0xFFFFF086;
	s6 =	sadd.s32 @!p0 s3, s7;
	s7 =	simm.s32 @!p0 $0x108  }
0x21: {  	s3 =	sadd.s32 s3, s9;
	s6 =	sadd.s32 @!p0 $0x88, s6;
	s7 =	simm.s32 @p2 $0x1082  }
0x22: {  	[simem:s7], [sflag:s8] =	dma.local @!p0 [hbm:s6], $0xF7A  }
0x23: {  	s9 =	sor.u32 $0xD0000000, s2;
	s6 =	simm.s32 $0x108;
	_ =	swait.ge @!p0 [sflag:s8], $0x0  }
0x24: {  	s3 =	sadd.s32 $0x88, s3;
	s6 =	simm.s32 @!p1 $0x1082;
	[sflag:s4] =	ssyncset.s32 $0xFFFFF086  }
0x25: {  	[simem:s6], [sflag:s4] =	dma.local [hbm:s3], $0xF7A  }
0x26: {  	[smem:$0x3F9D] =	sst s1;
	(tag) =	ssettag s2;
	_ =	strace s9  }
0x27: {  	s1 =	sld [smem:$0x3FAD]  }
0x28: {  	s2 =	sld [smem:$0x3FAE]  }
0x29: {  	s4 =	sld [smem:$0x3FB0]  }
0x2a: {  	p0 =	seq.s32 s5, $0x0;
	s5 =	sld [smem:$0x3FB1]  }
0x2b: {  	s6 =	sld [smem:$0x3FB2]  }
0x2c: {  	s7 =	sld [smem:$0x3FB3]  }
0x2d: {  	s3 =	simm.s32 $0x108;
	s8 =	sld [smem:$0x3FB4]  }
0x2e: {  	s3 =	simm.s32 @!p0 $0x1082;
	s9 =	sld [smem:$0x3FB5]  }
0x2f: {  	lr =	sadd.s32 s0, s3;
	s0 =	sld [smem:$0x3FAC]  }
0x30: {  	s3 =	sld [smem:$0x3FAF]  }
0x31: {  	[smem:$0x3FB8] =	sst s10  }
0x32: {  	s10 =	sld [smem:$0x3FB6];
	_ =	sdelay $0x3  }
0x33: {  	p0 =	seq.s32 s10, $0x1;
	s10 =	sld [smem:$0x3FB8];
	_ =	sdelay $0x3  }
0x34: {  	[smem:$0x3FB8] =	sst s10  }
0x35: {  	s10 =	sld [smem:$0x3FB7];
	_ =	sdelay $0x3  }
0x36: {  	p1 =	seq.s32 s10, $0x1;
	s10 =	sld [smem:$0x3FB8];
	_ =	sdelay $0x3  }
0x37: {  	[smem:$0x3FB8] =	sst s10  }
0x38: {  	s10 =	sld [smem:$0x3FB9]  }
0x39: {  	_ = 	snop;
	(pc) =	sbr.ind lr, $3  }
0x3a: {  	_ = 	snop  }
0x3b: {  	_ = 	snop  }
0x3c: {  	p2 =	seq.s32 s10, $0x1;
	s10 =	sld [smem:$0x3FB8]  }
0x3d: {  	_ =	shalt  }
0x3e: {  	_ =	shalt  }
0x3f: {  	_ =	shalt  }
0x40: {  	_ =	shalt  }
0x41: {  	_ =	shalt  }
0x42: {  	_ =	shalt  }
0x43: {  	_ =	shalt  }
0x44: {  	_ =	shalt  }
0x45: {  	_ =	shalt  }
0x46: {  	_ =	shalt  }
0x47: {  	_ =	shalt  }
0x48: {  	_ =	shalt  }
0x49: {  	_ =	shalt  }
0x4a: {  	_ =	shalt  }
0x4b: {  	_ =	shalt  }
0x4c: {  	_ =	shalt  }
0x4d: {  	_ =	shalt  }
0x4e: {  	_ =	shalt  }
0x4f: {  	_ =	shalt  }
0x50: {  	_ =	shalt  }
0x51: {  	_ =	shalt  }
0x52: {  	_ =	shalt  }
0x53: {  	_ =	shalt  }
0x54: {  	_ =	shalt  }
0x55: {  	_ =	shalt  }
0x56: {  	_ =	shalt  }
0x57: {  	_ =	shalt  }
0x58: {  	_ =	shalt  }
0x59: {  	_ =	shalt  }
0x5a: {  	_ =	shalt  }
0x5b: {  	_ =	shalt  }
0x5c: {  	_ =	shalt  }
0x5d: {  	_ =	shalt  }
0x5e: {  	_ =	shalt  }
0x5f: {  	_ =	shalt  }
0x60: {  	_ =	shalt  }
0x61: {  	_ =	shalt  }
0x62: {  	_ =	shalt  }
0x63: {  	_ =	shalt  }
0x64: {  	_ =	shalt  }
0x65: {  	_ =	shalt  }
0x66: {  	_ =	shalt  }
0x67: {  	_ =	shalt  }
0x68: {  	_ =	shalt  }
0x69: {  	_ =	shalt  }
0x6a: {  	_ =	shalt  }
0x6b: {  	_ =	shalt  }
0x6c: {  	_ =	shalt  }
0x6d: {  	_ =	shalt  }
0x6e: {  	_ =	shalt  }
0x6f: {  	_ =	shalt  }
0x70: {  	_ =	shalt  }
0x71: {  	_ =	shalt  }
0x72: {  	_ =	shalt  }
0x73: {  	_ =	shalt  }
0x74: {  	_ =	shalt  }
0x75: {  	_ =	shalt  }
0x76: {  	_ =	shalt  }
0x77: {  	_ =	shalt  }
0x78: {  	_ =	shalt  }
0x79: {  	_ =	shalt  }
0x7a: {  	_ =	shalt  }
0x7b: {  	_ =	shalt  }
0x7c: {  	_ =	shalt  }
0x7d: {  	_ =	shalt  }
0x7e: {  	_ =	shalt  }
0x7f: {  	_ =	shalt  }
0x80: {  	_ =	shalt  }
0x81: {  	_ =	shalt  }
0x82: {  	_ =	shalt  }
0x83: {  	_ =	shalt  }
0x84: {  	_ =	shalt  }
0x85: {  	_ =	shalt  }
0x86: {  	_ =	shalt  }
0x87: {  	_ =	shalt  }
.Lfunc_end0:
.L_simem_size_0:
called_computation_lowered:
.L_overlay_start_0:
0x88: {  	s2 =	sld [smem:$0x3FD9]  }
0x89: {  	s3 =	sld [smem:$0x3FFE];
	_ =	sdelay $0x1  }
0x8a: {  	s1 =	srdreg.scid  }
0x8b: {  	s0 =	sand.u32 $0x1, s1  }
0x8c: {  	s28 =	sshll.u32 s0, $0xA;
	s2 =	sadd.s32 s3, s2  }
0x8d: {  	s2 =	sadd.s32 s2, s28  }
0x8e: {  	s5 =	simm.s32 $0x0;
	[smem:$0x3FC4] =	sst s2  }
0x8f: {  	[smem:$0xF] =	sst s5  }
0x90: {  	s4 =	sld [smem:$0x3FC8]  }
0x91: {  	s2 =	sld [smem:$0x3FD0];
	(tm) =	ssettm $0x1  }
0x92: {  	s29 =	sld [smem:$0x3FFB];
	_ =	sdelay $0x3  }
0x93: {  	_ =	strace s29  }
0x94: {  	s3 =	sld [smem:$0x3FFC];
	_ =	sdelay $0x3  }
0x95: {  	_ =	strace s3  }
0x96: {  	s3 =	sld [smem:$0x3FFD];
	_ =	sdelay $0x3  }
0x97: {  	_ =	strace s3  }
0x98: {  	s30 =	simm.s32 $0x1B8B;
	_ =	strace $0x8FFFFFFF  }
0x99: {  	_ =	swait.ge [sflag:s30], $0x1  }
0x9a: {  	[sflag:s30] =	ssyncset.done $0x0  }
0x9b: {  	s31 =	simm.s32 $0x1B8E;
	[sflag:s30] =	ssyncadd.s32 $0xFFFFFFFF  }
0x9c: {  	[smem:$0x3FD2] =	sst s31  }
0x9d: {  	s6 =	simm.s32 $0x10;
	s3 =	simm.s32 $0x9;
	_ =	strace $0x80000046  }
0x9e: {  	[smem:s6], [sflag:s3] =	dma.local [hbm:s4], $0x100  }
0x9f: {  	_ =	swait.ge [sflag:s3], $0x100  }
0xa0: {  	s8 =	simm.s32 $0x800;
	s7 =	simm.s32 $0xB;
	[sflag:s3] =	ssyncset.done $0x0  }
0xa1: {  	s4 =	sshll.u32 s0, $0x5;
	s6 =	simm.s32 $0x800;
	[sflag:s3] =	ssyncadd.s32 $0xFFFFFF00  }
.LBB1_1:
0xa2: {  	p0 =	sne.s32 s7, $0x1;
	s9 =	sadd.s32 $0xFFFFFFFF, s8  }
0xa3: {  	p1 =	slt.s32 s9, $0x7FF  }
0xa4: {  	s9 =	simm.s32 @!p1 $0x7FF  }
0xa5: {  	s9 =	sld [smem:s9+$0x10];
	_ =	sdelay $0x1  }
0xa6: {  	s10 =	sand.u32 $0x1, s6  }
0xa7: {  	s11 =	sshrl.u32 s6, $0x1F;
	p2 =	seq.s32 s10, $0x1;
	p1 =	slt.s32 s6, $0x1  }
0xa8: {  	p1 =	por !p1, !p2;
	p2 =	slt.s32 s8, $0x801;
	p3 =	slt.s32 s9, s4  }
0xa9: {  	p1 =	por !p1, !p1;
	s9 =	sadd.s32 s11, s6;
	s6 =	simm.s32 @!p3 $0x0  }
.Ltmp0:
0xaa: {  	s8 =	sshra.s32 s9, $0x1;
	s9 =	simm.s32 $0x1;
	(pc) =	sbr.rel @p0 .LBB1_1-.Ltmp0, $3  }
0xab: {  	s6 =	simm.s32 @!p2 $0x0;
	s9 =	simm.s32 @!p1 $0x0  }
0xac: {  	s5 =	sadd.s32 s5, s6;
	s6 =	ssub.s32 s8, s9  }
0xad: {  	s7 =	sadd.s32 $0xFFFFFFFF, s7;
	s8 =	sadd.s32 s5, s6  }
0xae: {  	s7 =	sadd.s32 $0xFFFFFFFF, s8  }
0xaf: {  	p0 =	slt.s32 s7, $0x7FF  }
0xb0: {  	s7 =	simm.s32 @!p0 $0x7FF  }
0xb1: {  	s7 =	sld [smem:s7+$0x10];
	_ =	sdelay $0x3  }
0xb2: {  	p0 =	slt.s32 s7, s4  }
0xb3: {  	p1 =	slt.s32 s8, $0x801;
	s6 =	simm.s32 @!p0 $0x0  }
0xb4: {  	s6 =	simm.s32 @!p1 $0x0  }
0xb5: {  	s31 =	sshll.u32 s0, $0xC;
	s7 =	simm.s32 $0x0;
	s30 =	sadd.s32 s5, s6  }
0xb6: {  	s6 =	sadd.s32 $0x20, s4;
	s5 =	sor.u32 $0x810, s31;
	[smem:s31+$0x810] =	sst s30  }
.LBB1_3:
0xb7: {  	s8 =	sor.u32 s4, s7;
	s9 =	simm.s32 $0x800  }
0xb8: {  	s12 =	simm.s32 $0x800;
	s11 =	simm.s32 $0xB;
	s10 =	simm.s32 $0x0  }
.LBB1_4:
0xb9: {  	p0 =	sne.s32 s11, $0x1;
	s13 =	sadd.s32 $0xFFFFFFFF, s12  }
0xba: {  	p1 =	slt.s32 s13, $0x7FF  }
0xbb: {  	s13 =	simm.s32 @!p1 $0x7FF  }
0xbc: {  	s13 =	sld [smem:s13+$0x10];
	_ =	sdelay $0x1  }
0xbd: {  	s14 =	sand.u32 $0x1, s9  }
0xbe: {  	s15 =	sshrl.u32 s9, $0x1F;
	p2 =	seq.s32 s14, $0x1;
	p1 =	slt.s32 s9, $0x1  }
0xbf: {  	p1 =	por !p1, !p2;
	p2 =	slt.s32 s12, $0x801;
	p3 =	sle.s32 s13, s8  }
0xc0: {  	p1 =	por !p1, !p1;
	s13 =	sadd.s32 s15, s9;
	s9 =	simm.s32 @!p3 $0x0  }
.Ltmp1:
0xc1: {  	s12 =	sshra.s32 s13, $0x1;
	s13 =	simm.s32 $0x1;
	(pc) =	sbr.rel @p0 .LBB1_4-.Ltmp1, $3  }
0xc2: {  	s9 =	simm.s32 @!p2 $0x0;
	s13 =	simm.s32 @!p1 $0x0  }
0xc3: {  	s10 =	sadd.s32 s10, s9;
	s9 =	ssub.s32 s12, s13  }
0xc4: {  	s11 =	sadd.s32 $0xFFFFFFFF, s11;
	s12 =	sadd.s32 s10, s9  }
0xc5: {  	s11 =	sadd.s32 $0xFFFFFFFF, s12  }
0xc6: {  	p0 =	slt.s32 s11, $0x7FF  }
0xc7: {  	s11 =	simm.s32 @!p0 $0x7FF  }
0xc8: {  	s11 =	sld [smem:s11+$0x10];
	_ =	sdelay $0x3  }
0xc9: {  	p1 =	slt.s32 s12, $0x801;
	s31 =	sshll.u32 s8, $0x7;
	p0 =	sle.s32 s11, s8  }
0xca: {  	s7 =	sadd.s32 $0x1, s7;
	s11 =	sadd.s32 $0x1, s8;
	s9 =	simm.s32 @!p0 $0x0  }
0xcb: {  	s8 =	sand.u32 $0x3FFFFF80, s31;
	p0 =	sge.u32 s11, s6;
	s9 =	simm.s32 @!p1 $0x0  }
0xcc: {  	p1 =	sne.s32 s7, $0x20;
	s9 =	sadd.s32 s10, s9;
	s10 =	sshll.u32 @!p0 s11, $0x7  }
0xcd: {  	s4 =	sshll.u32 @!p1 s0, $0x9;
	[smem:s8+$0x811] =	sst s9;
	s8 =	sand.u32 @!p0 $0x3FFFFF80, s10  }
0xce: {  	s2 =	sadd.s32 @!p1 s4, s2;
	[smem:s8+$0x810] =	sst @!p0 s9  }
0xcf: {  	[hbm:s2], [sflag:s3] =	dma.local @!p1 [smem:s5], $0x200  }
0xd0: {  	s2 =	simm.s32 @!p1 $0x9  }
0xd1: {  	_ =	swait.ge @!p1 [sflag:s2], $0x200  }
0xd2: {  	[sflag:s2] =	ssyncset.done @!p1 $0x0  }
0xd3: {  	[sflag:s2] =	ssyncadd.s32 @!p1 $0xFFFFFE00  }
0xd4: {  	_ =	strace @!p1 $0x90000046  }
0xd5: {  	_ =	sfence @!p1  }
0xd6: {  	s2 =	sld @!p1 [smem:$0x0];
	_ =	sdelay $0x2  }
0xd7: {  	s3 =	sshll.u32 @!p1 s1, $0xD;
	s1 =	sshrl.u32 @!p1 s1, $0x2  }
0xd8: {  	s3 =	sand.u32 @!p1 $0x4000, s3;
	s1 =	sadd.s32 @!p1 s1, s2  }
0xd9: {  	s0 =	sor.u32 @!p1 s3, s0;
	s1 =	sshll.u32 @!p1 s1, $0x11  }
0xda: {  	s0 =	sor.u32 @!p1 s1, s0  }
0xdb: {  	s0 =	sadd.s32 @!p1 $0x8F2B, s0;
	(pc) =	sbr.abs @!p1 _section_cstart, $3  }
0xdc: {  	[sflag:s0] =	ssyncadd.remote.s32 @!p1 $0x1  }
0xdd: {  	_ =	strace @!p1 $0x9FFFFFFF  }
0xde: {  	(tm) =	ssettm @!p1 $0x7FFFFFFF  }
.Ltmp2:
0xdf: {  	_ = 	snop;
	(pc) =	sbr.rel .LBB1_3-.Ltmp2, $1  }
0xe0: {  	_ =	sdelay $0x2  }
0xe1: {  	_ =	shalt  }

</sc_bundles>
